<compile_context>
chip_gen: v7x
topology: tpu7x:2x2x1
jax: 0.10.2.dev20260603
libtpu: 0.0.44.dev20260713+nightly
codegen_flags: <defaults>
</compile_context>

<pallas_src>
import functools

import jax
import jax.numpy as jnp
from jax import lax
from jax.experimental import pallas as pl
from jax.experimental.pallas import tpu as pltpu
from jax.experimental.pallas import tpu_sc as plsc

N_INDICATORS = 8
HIDDEN = 1024
ROWS = 4096 * 20
NUM_CORES = 2
NUM_SUBCORES = 16
NW = NUM_CORES * NUM_SUBCORES
PAIRS_PER_W = ROWS // 2 // NW
CP = 16
N_CHUNKS = PAIRS_PER_W // CP


def _sc_lookup(ptable, ev3, od3):
    mesh = plsc.VectorSubcoreMesh(core_axis_name="c", subcore_axis_name="s")

    @functools.partial(
        pl.kernel,
        mesh=mesh,
        compiler_params=pltpu.CompilerParams(needs_layout_passes=False),
        out_type=jax.ShapeDtypeStruct((NW, PAIRS_PER_W, 2 * HIDDEN), jnp.float32),
        scratch_types=[
            pltpu.VMEM((N_CHUNKS, CP), jnp.int32),
            pltpu.VMEM((N_CHUNKS, CP), jnp.int32),
            pltpu.VMEM((CP, 2 * HIDDEN), jnp.float32),
            pltpu.VMEM((CP, 2 * HIDDEN), jnp.float32),
            pltpu.SemaphoreType.DMA,
            pltpu.SemaphoreType.DMA,
            pltpu.SemaphoreType.DMA,
        ],
    )
    def k(pt_hbm, ev_hbm, od_hbm, out_hbm, ev_v, od_v, buf0, buf1,
          gsem, sem0, sem1):
        wid = lax.axis_index("s") * NUM_CORES + lax.axis_index("c")
        out_w = out_hbm.at[wid]
        pltpu.sync_copy(ev_hbm.at[wid], ev_v)
        pltpu.sync_copy(od_hbm.at[wid], od_v)

        def step(t, carry):
            for b, buf, sem in ((0, buf0, sem0), (1, buf1, sem1)):
                j = 2 * t + b

                @pl.when(t >= 1)
                def _wait(buf=buf, sem=sem):
                    pltpu.make_async_copy(
                        buf, out_w.at[pl.ds(0, CP)], sem
                    ).wait()

                pid = ev_v[j] * N_INDICATORS + od_v[j]
                pltpu.async_copy(pt_hbm.at[pid], buf, gsem).wait()
                pltpu.async_copy(buf, out_w.at[pl.ds(j * CP, CP)], sem)
            return carry

        lax.fori_loop(0, N_CHUNKS // 2, step, 0)
        pltpu.make_async_copy(buf0, out_w.at[pl.ds(0, CP)], sem0).wait()
        pltpu.make_async_copy(buf1, out_w.at[pl.ds(0, CP)], sem1).wait()

    return k(ptable, ev3, od3)


def kernel(ids, indicator_embs):
    ids_flat = ids.reshape(-1).astype(jnp.int32)
    ev3 = ids_flat[0::2].reshape(NW, N_CHUNKS, CP)
    od3 = ids_flat[1::2].reshape(NW, N_CHUNKS, CP)
    ptable = jnp.concatenate(
        [
            jnp.repeat(indicator_embs, N_INDICATORS, axis=0),
            jnp.tile(indicator_embs, (N_INDICATORS, 1)),
        ],
        axis=1,
    )
    out = _sc_lookup(ptable, ev3, od3)
    return out.reshape(4096, 20, HIDDEN)

# --- scband reference (transcript-rebuilt; emitter-appended) ---
"""Pipeline reference for scband-align-indicator-14199161880948 (READ-ONLY COPY).

The authoritative reference and input builder live on the scoring server;
editing this copy changes nothing except your own understanding.
"""

import jax, jax.numpy as jnp
import numpy as np

N_INDICATORS = 8
HIDDEN_SIZE = 1024


def _xavier_uniform(key, shape, dtype=jnp.float32):
    fan_in, fan_out = shape[0], shape[1]
    bound = float(np.sqrt(6.0 / (fan_in + fan_out)))
    return jax.random.uniform(key, shape, dtype=dtype, minval=-bound, maxval=bound)


def setup_inputs(seed: int = 0) -> dict:
    key = jax.random.key(seed)
    k_ids, k_tbl = jax.random.split(key)
    ids = jax.random.randint(k_ids, (4096, 20), 0, N_INDICATORS, dtype=jnp.int64) if jax.config.read('jax_enable_x64') else jax.random.randint(k_ids, (4096, 20), 0, N_INDICATORS, dtype=jnp.int32)
    indicator_embs = _xavier_uniform(k_tbl, (N_INDICATORS, HIDDEN_SIZE))
    return {"ids": ids, "indicator_embs": indicator_embs}


def reference(ids, indicator_embs):
    # Faithful translation of AlignIndicator.__call__: self.indicator_embs[ids]
    return jnp.take(indicator_embs, ids, axis=0)

if __name__ == "__main__":
    import jax
    _d = setup_inputs()
    print(jax.jit(kernel)(*tuple(_d.values())))

</pallas_src>

<mosaic_0001>
#map = affine_map<(d0, d1) -> (0, 0)>
#map1 = affine_map<(d0, d1) -> (0, 0, 0)>
module attributes {stable_mosaic.version = 14 : i64} {
  func.func @k(%arg0: i32, %arg1: i32, %arg2: memref<64x2048xf32, #tpu.memory_space<hbm>>, %arg3: memref<32x80x16xi32, #tpu.memory_space<hbm>>, %arg4: memref<32x80x16xi32, #tpu.memory_space<hbm>>, %arg5: memref<32x1280x2048xf32, #tpu.memory_space<hbm>>, %arg6: memref<80x16xi32, #tpu.memory_space<vmem>>, %arg7: memref<80x16xi32, #tpu.memory_space<vmem>>, %arg8: memref<16x2048xf32, #tpu.memory_space<vmem>>, %arg9: memref<16x2048xf32, #tpu.memory_space<vmem>>, %arg10: memref<!tpu.dma_semaphore, #tpu.memory_space<semaphore_mem>>, %arg11: memref<!tpu.dma_semaphore, #tpu.memory_space<semaphore_mem>>, %arg12: memref<!tpu.dma_semaphore, #tpu.memory_space<semaphore_mem>>) attributes {dimension_semantics = [#tpu.dimension_semantics<core_parallel>, #tpu.dimension_semantics<subcore_parallel>], iteration_bounds = array<i64: 2, 16>, scalar_prefetch = 0 : i64, scratch_operands = 7 : i64, tpu.core_type = #tpu.core_type<sc_vector_subcore>, window_params = [{transform_indices = #map}, {transform_indices = #map1}, {transform_indices = #map1}, {transform_indices = #map1}]} {
    %mul3A = arith.constant 2 : i32
    %mul3A_0 = arith.muli %arg1, %mul3A : i32
    %add3A = arith.addi %mul3A_0, %arg0 : i32
    "tpu.region"() ({
      %run_scoped3A = tpu.sem_alloc : memref<!tpu.dma_semaphore, #tpu.memory_space<semaphore_mem>>
      %dma_start3A = arith.constant 0 : i32
      %dma_start3A_33 = arith.constant 0 : i32
      %dma_start3A_34 = tpu.memref_slice %arg3[%add3A, %dma_start3A, %dma_start3A_33] : memref<32x80x16xi32, #tpu.memory_space<hbm>> -> memref<1x80x16xi32, #tpu.memory_space<hbm>>
      %dma_start3A_35 = tpu.memref_squeeze %dma_start3A_34 : memref<1x80x16xi32, #tpu.memory_space<hbm>> -> memref<80x16xi32, #tpu.memory_space<hbm>>
      %dma_start3A_36 = arith.constant 0 : i32
      %dma_start3A_37 = arith.constant 0 : i32
      %dma_start3A_38 = tpu.memref_slice %arg3[%add3A, %dma_start3A_36, %dma_start3A_37] : memref<32x80x16xi32, #tpu.memory_space<hbm>> -> memref<1x80x16xi32, #tpu.memory_space<hbm>>
      %dma_start3A_39 = tpu.memref_squeeze %dma_start3A_38 : memref<1x80x16xi32, #tpu.memory_space<hbm>> -> memref<80x16xi32, #tpu.memory_space<hbm>>
      tpu.enqueue_dma source(%dma_start3A_39 : memref<80x16xi32, #tpu.memory_space<hbm>>) target(%arg6 : memref<80x16xi32, #tpu.memory_space<vmem>>) target_semaphore(%run_scoped3A : memref<!tpu.dma_semaphore, #tpu.memory_space<semaphore_mem>>)
      %dma_wait3A_40 = arith.constant 0 : i32
      %dma_wait3A_41 = arith.constant 0 : i32
      %dma_wait3A_42 = tpu.memref_slice %arg3[%add3A, %dma_wait3A_40, %dma_wait3A_41] : memref<32x80x16xi32, #tpu.memory_space<hbm>> -> memref<1x80x16xi32, #tpu.memory_space<hbm>>
      %dma_wait3A_43 = tpu.memref_squeeze %dma_wait3A_42 : memref<1x80x16xi32, #tpu.memory_space<hbm>> -> memref<80x16xi32, #tpu.memory_space<hbm>>
      %dma_wait3A_44 = arith.constant 0 : i32
      %dma_wait3A_45 = arith.constant 0 : i32
      %dma_wait3A_46 = tpu.memref_slice %arg3[%add3A, %dma_wait3A_44, %dma_wait3A_45] : memref<32x80x16xi32, #tpu.memory_space<hbm>> -> memref<1x80x16xi32, #tpu.memory_space<hbm>>
      %dma_wait3A_47 = tpu.memref_squeeze %dma_wait3A_46 : memref<1x80x16xi32, #tpu.memory_space<hbm>> -> memref<80x16xi32, #tpu.memory_space<hbm>>
      tpu.wait_dma2 semaphore(%run_scoped3A : memref<!tpu.dma_semaphore, #tpu.memory_space<semaphore_mem>>) src(%dma_wait3A_47 : memref<80x16xi32, #tpu.memory_space<hbm>>) dst(%arg6 : memref<80x16xi32, #tpu.memory_space<vmem>>)
      tpu.yield
    }) : () -> ()
    "tpu.region"() ({
      %run_scoped3A = tpu.sem_alloc : memref<!tpu.dma_semaphore, #tpu.memory_space<semaphore_mem>>
      %dma_start3A = arith.constant 0 : i32
      %dma_start3A_33 = arith.constant 0 : i32
      %dma_start3A_34 = tpu.memref_slice %arg4[%add3A, %dma_start3A, %dma_start3A_33] : memref<32x80x16xi32, #tpu.memory_space<hbm>> -> memref<1x80x16xi32, #tpu.memory_space<hbm>>
      %dma_start3A_35 = tpu.memref_squeeze %dma_start3A_34 : memref<1x80x16xi32, #tpu.memory_space<hbm>> -> memref<80x16xi32, #tpu.memory_space<hbm>>
      %dma_start3A_36 = arith.constant 0 : i32
      %dma_start3A_37 = arith.constant 0 : i32
      %dma_start3A_38 = tpu.memref_slice %arg4[%add3A, %dma_start3A_36, %dma_start3A_37] : memref<32x80x16xi32, #tpu.memory_space<hbm>> -> memref<1x80x16xi32, #tpu.memory_space<hbm>>
      %dma_start3A_39 = tpu.memref_squeeze %dma_start3A_38 : memref<1x80x16xi32, #tpu.memory_space<hbm>> -> memref<80x16xi32, #tpu.memory_space<hbm>>
      tpu.enqueue_dma source(%dma_start3A_39 : memref<80x16xi32, #tpu.memory_space<hbm>>) target(%arg7 : memref<80x16xi32, #tpu.memory_space<vmem>>) target_semaphore(%run_scoped3A : memref<!tpu.dma_semaphore, #tpu.memory_space<semaphore_mem>>)
      %dma_wait3A_40 = arith.constant 0 : i32
      %dma_wait3A_41 = arith.constant 0 : i32
      %dma_wait3A_42 = tpu.memref_slice %arg4[%add3A, %dma_wait3A_40, %dma_wait3A_41] : memref<32x80x16xi32, #tpu.memory_space<hbm>> -> memref<1x80x16xi32, #tpu.memory_space<hbm>>
      %dma_wait3A_43 = tpu.memref_squeeze %dma_wait3A_42 : memref<1x80x16xi32, #tpu.memory_space<hbm>> -> memref<80x16xi32, #tpu.memory_space<hbm>>
      %dma_wait3A_44 = arith.constant 0 : i32
      %dma_wait3A_45 = arith.constant 0 : i32
      %dma_wait3A_46 = tpu.memref_slice %arg4[%add3A, %dma_wait3A_44, %dma_wait3A_45] : memref<32x80x16xi32, #tpu.memory_space<hbm>> -> memref<1x80x16xi32, #tpu.memory_space<hbm>>
      %dma_wait3A_47 = tpu.memref_squeeze %dma_wait3A_46 : memref<1x80x16xi32, #tpu.memory_space<hbm>> -> memref<80x16xi32, #tpu.memory_space<hbm>>
      tpu.wait_dma2 semaphore(%run_scoped3A : memref<!tpu.dma_semaphore, #tpu.memory_space<semaphore_mem>>) src(%dma_wait3A_47 : memref<80x16xi32, #tpu.memory_space<hbm>>) dst(%arg7 : memref<80x16xi32, #tpu.memory_space<vmem>>)
      tpu.yield
    }) : () -> ()
    %scan3A = arith.constant 0 : i32
    %scan3A_1 = arith.constant 0 : i32
    %scan3A_2 = arith.constant 40 : i32
    %scan3A_3 = arith.addi %scan3A_1, %scan3A_2 : i32
    %scan3A_4 = arith.constant 1 : i32
    scf.for %scan3A_33 = %scan3A_1 to %scan3A_3 step %scan3A_4  : i32 {
      %mul3A_34 = arith.constant 2 : i32
      %mul3A_35 = arith.muli %mul3A_34, %scan3A_33 : i32
      %add3A_36 = arith.constant 0 : i32
      %add3A_37 = arith.addi %mul3A_35, %add3A_36 : i32
      %ge3A = arith.constant 1 : i32
      %ge3A_38 = arith.cmpi sge, %scan3A_33, %ge3A : i32
      %convert_element_type3A = arith.extui %ge3A_38 : i1 to i32
      %cond3A = arith.constant 0 : i32
      %cond3A_39 = arith.cmpi ne, %convert_element_type3A, %cond3A : i32
      scf.if %cond3A_39 {
        %dma_wait3A_107 = arith.constant 0 : i32
        %dma_wait3A_108 = arith.constant 0 : i32
        %dma_wait3A_109 = tpu.memref_slice %arg5[%add3A, %dma_wait3A_107, %dma_wait3A_108] : memref<32x1280x2048xf32, #tpu.memory_space<hbm>> -> memref<1x1280x2048xf32, #tpu.memory_space<hbm>>
        %dma_wait3A_110 = tpu.memref_squeeze %dma_wait3A_109 : memref<1x1280x2048xf32, #tpu.memory_space<hbm>> -> memref<1280x2048xf32, #tpu.memory_space<hbm>>
        %dma_wait3A_111 = arith.constant 0 : i32
        %dma_wait3A_112 = arith.constant 0 : i32
        %dma_wait3A_113 = tpu.memref_slice %dma_wait3A_110[%dma_wait3A_111, %dma_wait3A_112] : memref<1280x2048xf32, #tpu.memory_space<hbm>> -> memref<16x2048xf32, #tpu.memory_space<hbm>>
        %dma_wait3A_114 = arith.constant 0 : i32
        %dma_wait3A_115 = arith.constant 0 : i32
        %dma_wait3A_116 = tpu.memref_slice %arg5[%add3A, %dma_wait3A_114, %dma_wait3A_115] : memref<32x1280x2048xf32, #tpu.memory_space<hbm>> -> memref<1x1280x2048xf32, #tpu.memory_space<hbm>>
        %dma_wait3A_117 = tpu.memref_squeeze %dma_wait3A_116 : memref<1x1280x2048xf32, #tpu.memory_space<hbm>> -> memref<1280x2048xf32, #tpu.memory_space<hbm>>
        %dma_wait3A_118 = arith.constant 0 : i32
        %dma_wait3A_119 = arith.constant 0 : i32
        %dma_wait3A_120 = tpu.memref_slice %dma_wait3A_117[%dma_wait3A_118, %dma_wait3A_119] : memref<1280x2048xf32, #tpu.memory_space<hbm>> -> memref<16x2048xf32, #tpu.memory_space<hbm>>
        tpu.wait_dma2 semaphore(%arg11 : memref<!tpu.dma_semaphore, #tpu.memory_space<semaphore_mem>>) src(%arg8 : memref<16x2048xf32, #tpu.memory_space<vmem>>) dst(%dma_wait3A_120 : memref<16x2048xf32, #tpu.memory_space<hbm>>)
      } else {
      }
      %get3A = arith.index_cast %add3A_37 : i32 to index
      %get3A_40 = arith.constant 0 : index
      %get3A_41 = tpu.vector_load %arg6[%get3A, %get3A_40] {strides = array<i32>} : memref<80x16xi32, #tpu.memory_space<vmem>>, vector<16xi32>,
      %mul3A_42 = arith.constant 8 : i32
      %mul3A_43 = vector.broadcast %mul3A_42 : i32 to vector<16xi32>
      %mul3A_44 = arith.muli %get3A_41, %mul3A_43 : vector<16xi32>
      %get3A_45 = arith.index_cast %add3A_37 : i32 to index
      %get3A_46 = arith.constant 0 : index
      %get3A_47 = tpu.vector_load %arg7[%get3A_45, %get3A_46] {strides = array<i32>} : memref<80x16xi32, #tpu.memory_space<vmem>>, vector<16xi32>,
      %add3A_48 = arith.addi %mul3A_44, %get3A_47 : vector<16xi32>
      %dma_start3A = arith.constant 0 : i32
      %dma_start3A_49 = arith.constant 0 : i32
      %dma_start3A_50 = tpu.memref_slice %arg2[%dma_start3A, %dma_start3A_49] : memref<64x2048xf32, #tpu.memory_space<hbm>> -> memref<64x2048xf32, #tpu.memory_space<hbm>>
      tpu.enqueue_indirect_dma source(%dma_start3A_50 : memref<64x2048xf32, #tpu.memory_space<hbm>>) target(%arg8 : memref<16x2048xf32, #tpu.memory_space<vmem>>) offsets(%add3A_48 : vector<16xi32>) semaphore(%arg10 : memref<!tpu.dma_semaphore, #tpu.memory_space<semaphore_mem>>)
      %dma_wait3A_51 = arith.constant 0 : i32
      %dma_wait3A_52 = arith.constant 0 : i32
      %dma_wait3A_53 = tpu.memref_slice %arg2[%dma_wait3A_51, %dma_wait3A_52] : memref<64x2048xf32, #tpu.memory_space<hbm>> -> memref<64x2048xf32, #tpu.memory_space<hbm>>
      tpu.wait_indirect_dma semaphore(%arg10 : memref<!tpu.dma_semaphore, #tpu.memory_space<semaphore_mem>>) src(%dma_wait3A_53 : memref<64x2048xf32, #tpu.memory_space<hbm>>) dst(%arg8 : memref<16x2048xf32, #tpu.memory_space<vmem>>)
      %mul3A_54 = arith.constant 16 : i32
      %mul3A_55 = arith.muli %add3A_37, %mul3A_54 : i32
      %dma_start3A_56 = arith.constant 0 : i32
      %dma_start3A_57 = arith.constant 0 : i32
      %dma_start3A_58 = tpu.memref_slice %arg5[%add3A, %dma_start3A_56, %dma_start3A_57] : memref<32x1280x2048xf32, #tpu.memory_space<hbm>> -> memref<1x1280x2048xf32, #tpu.memory_space<hbm>>
      %dma_start3A_59 = tpu.memref_squeeze %dma_start3A_58 : memref<1x1280x2048xf32, #tpu.memory_space<hbm>> -> memref<1280x2048xf32, #tpu.memory_space<hbm>>
      %dma_start3A_60 = arith.constant 0 : i32
      %dma_start3A_61 = tpu.memref_slice %dma_start3A_59[%mul3A_55, %dma_start3A_60] : memref<1280x2048xf32, #tpu.memory_space<hbm>> -> memref<16x2048xf32, #tpu.memory_space<hbm>>
      %dma_start3A_62 = arith.constant 0 : i32
      %dma_start3A_63 = arith.constant 0 : i32
      %dma_start3A_64 = tpu.memref_slice %arg5[%add3A, %dma_start3A_62, %dma_start3A_63] : memref<32x1280x2048xf32, #tpu.memory_space<hbm>> -> memref<1x1280x2048xf32, #tpu.memory_space<hbm>>
      %dma_start3A_65 = tpu.memref_squeeze %dma_start3A_64 : memref<1x1280x2048xf32, #tpu.memory_space<hbm>> -> memref<1280x2048xf32, #tpu.memory_space<hbm>>
      %dma_start3A_66 = arith.constant 0 : i32
      %dma_start3A_67 = tpu.memref_slice %dma_start3A_65[%mul3A_55, %dma_start3A_66] : memref<1280x2048xf32, #tpu.memory_space<hbm>> -> memref<16x2048xf32, #tpu.memory_space<hbm>>
      tpu.enqueue_dma source(%arg8 : memref<16x2048xf32, #tpu.memory_space<vmem>>) target(%dma_start3A_67 : memref<16x2048xf32, #tpu.memory_space<hbm>>) target_semaphore(%arg11 : memref<!tpu.dma_semaphore, #tpu.memory_space<semaphore_mem>>)
      %mul3A_68 = arith.constant 2 : i32
      %mul3A_69 = arith.muli %mul3A_68, %scan3A_33 : i32
      %add3A_70 = arith.constant 1 : i32
      %add3A_71 = arith.addi %mul3A_69, %add3A_70 : i32
      %ge3A_72 = arith.constant 1 : i32
      %ge3A_73 = arith.cmpi sge, %scan3A_33, %ge3A_72 : i32
      %convert_element_type3A_74 = arith.extui %ge3A_73 : i1 to i32
      %cond3A_75 = arith.constant 0 : i32
      %cond3A_76 = arith.cmpi ne, %convert_element_type3A_74, %cond3A_75 : i32
      scf.if %cond3A_76 {
        %dma_wait3A_107 = arith.constant 0 : i32
        %dma_wait3A_108 = arith.constant 0 : i32
        %dma_wait3A_109 = tpu.memref_slice %arg5[%add3A, %dma_wait3A_107, %dma_wait3A_108] : memref<32x1280x2048xf32, #tpu.memory_space<hbm>> -> memref<1x1280x2048xf32, #tpu.memory_space<hbm>>
        %dma_wait3A_110 = tpu.memref_squeeze %dma_wait3A_109 : memref<1x1280x2048xf32, #tpu.memory_space<hbm>> -> memref<1280x2048xf32, #tpu.memory_space<hbm>>
        %dma_wait3A_111 = arith.constant 0 : i32
        %dma_wait3A_112 = arith.constant 0 : i32
        %dma_wait3A_113 = tpu.memref_slice %dma_wait3A_110[%dma_wait3A_111, %dma_wait3A_112] : memref<1280x2048xf32, #tpu.memory_space<hbm>> -> memref<16x2048xf32, #tpu.memory_space<hbm>>
        %dma_wait3A_114 = arith.constant 0 : i32
        %dma_wait3A_115 = arith.constant 0 : i32
        %dma_wait3A_116 = tpu.memref_slice %arg5[%add3A, %dma_wait3A_114, %dma_wait3A_115] : memref<32x1280x2048xf32, #tpu.memory_space<hbm>> -> memref<1x1280x2048xf32, #tpu.memory_space<hbm>>
        %dma_wait3A_117 = tpu.memref_squeeze %dma_wait3A_116 : memref<1x1280x2048xf32, #tpu.memory_space<hbm>> -> memref<1280x2048xf32, #tpu.memory_space<hbm>>
        %dma_wait3A_118 = arith.constant 0 : i32
        %dma_wait3A_119 = arith.constant 0 : i32
        %dma_wait3A_120 = tpu.memref_slice %dma_wait3A_117[%dma_wait3A_118, %dma_wait3A_119] : memref<1280x2048xf32, #tpu.memory_space<hbm>> -> memref<16x2048xf32, #tpu.memory_space<hbm>>
        tpu.wait_dma2 semaphore(%arg12 : memref<!tpu.dma_semaphore, #tpu.memory_space<semaphore_mem>>) src(%arg9 : memref<16x2048xf32, #tpu.memory_space<vmem>>) dst(%dma_wait3A_120 : memref<16x2048xf32, #tpu.memory_space<hbm>>)
      } else {
      }
      %get3A_77 = arith.index_cast %add3A_71 : i32 to index
      %get3A_78 = arith.constant 0 : index
      %get3A_79 = tpu.vector_load %arg6[%get3A_77, %get3A_78] {strides = array<i32>} : memref<80x16xi32, #tpu.memory_space<vmem>>, vector<16xi32>,
      %mul3A_80 = arith.constant 8 : i32
      %mul3A_81 = vector.broadcast %mul3A_80 : i32 to vector<16xi32>
      %mul3A_82 = arith.muli %get3A_79, %mul3A_81 : vector<16xi32>
      %get3A_83 = arith.index_cast %add3A_71 : i32 to index
      %get3A_84 = arith.constant 0 : index
      %get3A_85 = tpu.vector_load %arg7[%get3A_83, %get3A_84] {strides = array<i32>} : memref<80x16xi32, #tpu.memory_space<vmem>>, vector<16xi32>,
      %add3A_86 = arith.addi %mul3A_82, %get3A_85 : vector<16xi32>
      %dma_start3A_87 = arith.constant 0 : i32
      %dma_start3A_88 = arith.constant 0 : i32
      %dma_start3A_89 = tpu.memref_slice %arg2[%dma_start3A_87, %dma_start3A_88] : memref<64x2048xf32, #tpu.memory_space<hbm>> -> memref<64x2048xf32, #tpu.memory_space<hbm>>
      tpu.enqueue_indirect_dma source(%dma_start3A_89 : memref<64x2048xf32, #tpu.memory_space<hbm>>) target(%arg9 : memref<16x2048xf32, #tpu.memory_space<vmem>>) offsets(%add3A_86 : vector<16xi32>) semaphore(%arg10 : memref<!tpu.dma_semaphore, #tpu.memory_space<semaphore_mem>>)
      %dma_wait3A_90 = arith.constant 0 : i32
      %dma_wait3A_91 = arith.constant 0 : i32
      %dma_wait3A_92 = tpu.memref_slice %arg2[%dma_wait3A_90, %dma_wait3A_91] : memref<64x2048xf32, #tpu.memory_space<hbm>> -> memref<64x2048xf32, #tpu.memory_space<hbm>>
      tpu.wait_indirect_dma semaphore(%arg10 : memref<!tpu.dma_semaphore, #tpu.memory_space<semaphore_mem>>) src(%dma_wait3A_92 : memref<64x2048xf32, #tpu.memory_space<hbm>>) dst(%arg9 : memref<16x2048xf32, #tpu.memory_space<vmem>>)
      %mul3A_93 = arith.constant 16 : i32
      %mul3A_94 = arith.muli %add3A_71, %mul3A_93 : i32
      %dma_start3A_95 = arith.constant 0 : i32
      %dma_start3A_96 = arith.constant 0 : i32
      %dma_start3A_97 = tpu.memref_slice %arg5[%add3A, %dma_start3A_95, %dma_start3A_96] : memref<32x1280x2048xf32, #tpu.memory_space<hbm>> -> memref<1x1280x2048xf32, #tpu.memory_space<hbm>>
      %dma_start3A_98 = tpu.memref_squeeze %dma_start3A_97 : memref<1x1280x2048xf32, #tpu.memory_space<hbm>> -> memref<1280x2048xf32, #tpu.memory_space<hbm>>
      %dma_start3A_99 = arith.constant 0 : i32
      %dma_start3A_100 = tpu.memref_slice %dma_start3A_98[%mul3A_94, %dma_start3A_99] : memref<1280x2048xf32, #tpu.memory_space<hbm>> -> memref<16x2048xf32, #tpu.memory_space<hbm>>
      %dma_start3A_101 = arith.constant 0 : i32
      %dma_start3A_102 = arith.constant 0 : i32
      %dma_start3A_103 = tpu.memref_slice %arg5[%add3A, %dma_start3A_101, %dma_start3A_102] : memref<32x1280x2048xf32, #tpu.memory_space<hbm>> -> memref<1x1280x2048xf32, #tpu.memory_space<hbm>>
      %dma_start3A_104 = tpu.memref_squeeze %dma_start3A_103 : memref<1x1280x2048xf32, #tpu.memory_space<hbm>> -> memref<1280x2048xf32, #tpu.memory_space<hbm>>
      %dma_start3A_105 = arith.constant 0 : i32
      %dma_start3A_106 = tpu.memref_slice %dma_start3A_104[%mul3A_94, %dma_start3A_105] : memref<1280x2048xf32, #tpu.memory_space<hbm>> -> memref<16x2048xf32, #tpu.memory_space<hbm>>
      tpu.enqueue_dma source(%arg9 : memref<16x2048xf32, #tpu.memory_space<vmem>>) target(%dma_start3A_106 : memref<16x2048xf32, #tpu.memory_space<hbm>>) target_semaphore(%arg12 : memref<!tpu.dma_semaphore, #tpu.memory_space<semaphore_mem>>)
    }
    %scan3A_5 = arith.constant 40 : i32
    %dma_wait3A = arith.constant 0 : i32
    %dma_wait3A_6 = arith.constant 0 : i32
    %dma_wait3A_7 = tpu.memref_slice %arg5[%add3A, %dma_wait3A, %dma_wait3A_6] : memref<32x1280x2048xf32, #tpu.memory_space<hbm>> -> memref<1x1280x2048xf32, #tpu.memory_space<hbm>>
    %dma_wait3A_8 = tpu.memref_squeeze %dma_wait3A_7 : memref<1x1280x2048xf32, #tpu.memory_space<hbm>> -> memref<1280x2048xf32, #tpu.memory_space<hbm>>
    %dma_wait3A_9 = arith.constant 0 : i32
    %dma_wait3A_10 = arith.constant 0 : i32
    %dma_wait3A_11 = tpu.memref_slice %dma_wait3A_8[%dma_wait3A_9, %dma_wait3A_10] : memref<1280x2048xf32, #tpu.memory_space<hbm>> -> memref<16x2048xf32, #tpu.memory_space<hbm>>
    %dma_wait3A_12 = arith.constant 0 : i32
    %dma_wait3A_13 = arith.constant 0 : i32
    %dma_wait3A_14 = tpu.memref_slice %arg5[%add3A, %dma_wait3A_12, %dma_wait3A_13] : memref<32x1280x2048xf32, #tpu.memory_space<hbm>> -> memref<1x1280x2048xf32, #tpu.memory_space<hbm>>
    %dma_wait3A_15 = tpu.memref_squeeze %dma_wait3A_14 : memref<1x1280x2048xf32, #tpu.memory_space<hbm>> -> memref<1280x2048xf32, #tpu.memory_space<hbm>>
    %dma_wait3A_16 = arith.constant 0 : i32
    %dma_wait3A_17 = arith.constant 0 : i32
    %dma_wait3A_18 = tpu.memref_slice %dma_wait3A_15[%dma_wait3A_16, %dma_wait3A_17] : memref<1280x2048xf32, #tpu.memory_space<hbm>> -> memref<16x2048xf32, #tpu.memory_space<hbm>>
    tpu.wait_dma2 semaphore(%arg11 : memref<!tpu.dma_semaphore, #tpu.memory_space<semaphore_mem>>) src(%arg8 : memref<16x2048xf32, #tpu.memory_space<vmem>>) dst(%dma_wait3A_18 : memref<16x2048xf32, #tpu.memory_space<hbm>>)
    %dma_wait3A_19 = arith.constant 0 : i32
    %dma_wait3A_20 = arith.constant 0 : i32
    %dma_wait3A_21 = tpu.memref_slice %arg5[%add3A, %dma_wait3A_19, %dma_wait3A_20] : memref<32x1280x2048xf32, #tpu.memory_space<hbm>> -> memref<1x1280x2048xf32, #tpu.memory_space<hbm>>
    %dma_wait3A_22 = tpu.memref_squeeze %dma_wait3A_21 : memref<1x1280x2048xf32, #tpu.memory_space<hbm>> -> memref<1280x2048xf32, #tpu.memory_space<hbm>>
    %dma_wait3A_23 = arith.constant 0 : i32
    %dma_wait3A_24 = arith.constant 0 : i32
    %dma_wait3A_25 = tpu.memref_slice %dma_wait3A_22[%dma_wait3A_23, %dma_wait3A_24] : memref<1280x2048xf32, #tpu.memory_space<hbm>> -> memref<16x2048xf32, #tpu.memory_space<hbm>>
    %dma_wait3A_26 = arith.constant 0 : i32
    %dma_wait3A_27 = arith.constant 0 : i32
    %dma_wait3A_28 = tpu.memref_slice %arg5[%add3A, %dma_wait3A_26, %dma_wait3A_27] : memref<32x1280x2048xf32, #tpu.memory_space<hbm>> -> memref<1x1280x2048xf32, #tpu.memory_space<hbm>>
    %dma_wait3A_29 = tpu.memref_squeeze %dma_wait3A_28 : memref<1x1280x2048xf32, #tpu.memory_space<hbm>> -> memref<1280x2048xf32, #tpu.memory_space<hbm>>
    %dma_wait3A_30 = arith.constant 0 : i32
    %dma_wait3A_31 = arith.constant 0 : i32
    %dma_wait3A_32 = tpu.memref_slice %dma_wait3A_29[%dma_wait3A_30, %dma_wait3A_31] : memref<1280x2048xf32, #tpu.memory_space<hbm>> -> memref<16x2048xf32, #tpu.memory_space<hbm>>
    tpu.wait_dma2 semaphore(%arg12 : memref<!tpu.dma_semaphore, #tpu.memory_space<semaphore_mem>>) src(%arg9 : memref<16x2048xf32, #tpu.memory_space<vmem>>) dst(%dma_wait3A_32 : memref<16x2048xf32, #tpu.memory_space<hbm>>)
    return
  }
}

</mosaic_0001>

<sc_bundles>
// kernel: kernel.3.cloned.1.call-start
scs
__scs_entry_jumppad:
0x0: {  	(pc) =	sbr.rel $0x88, $3  }
0x1: {  	(tag) =	ssettag $0x0;
	lr =	simm.s32 $0x1  }
0x2: {  	[smem:$0x3F9F] =	sst lr;
	_ =	strace $0xD0000000  }
0x3: {  	_ = 	snop  }
0x4: {  	_ = 	snop  }
0x5: {  	_ = 	snop  }
0x6: {  	_ = 	snop  }
0x7: {  	_ = 	snop  }
__scs_overlays_trampoline_lowered:
0x8: {  	[smem:$0x3FAE] =	sst s0  }
0x9: {  	[smem:$0x3FAF] =	sst s1  }
0xa: {  	[smem:$0x3FB0] =	sst s2  }
0xb: {  	[smem:$0x3FB1] =	sst s3  }
0xc: {  	[smem:$0x3FB2] =	sst s4  }
0xd: {  	[smem:$0x3FB3] =	sst s5  }
0xe: {  	[smem:$0x3FB4] =	sst s6  }
0xf: {  	[smem:$0x3FB5] =	sst s7  }
0x10: {  	[smem:$0x3FB6] =	sst s8  }
0x11: {  	[smem:$0x3FB7] =	sst s9;
	s0 =	simm.s32 @!p0 $0x0  }
0x12: {  	s1 =	sld [smem:$0x3F9D];
	s0 =	simm.s32 @p0 $0x1  }
0x13: {  	[smem:$0x3FB8] =	sst s0;
	s0 =	simm.s32 @!p1 $0x0  }
0x14: {  	s2 =	sld [smem:$0x3F9C];
	s0 =	simm.s32 @p1 $0x1  }
0x15: {  	[smem:$0x3FB9] =	sst s0;
	s0 =	simm.s32 @!p2 $0x0  }
0x16: {  	s3 =	sld [smem:$0x3FDB];
	s0 =	simm.s32 @p2 $0x1  }
0x17: {  	s4 =	simm.s32 $0x1BF5;
	[smem:$0x3FBB] =	sst s0  }
0x18: {  	s0 =	sld [smem:$0x3F9E];
	_ =	swait.ge [sflag:s4], $0x0  }
0x19: {  	s7 =	sld [smem:$0x3F9F]  }
0x1a: {  	s8 =	sadd.s32 $0xFFFFE003, lr  }
0x1b: {  	s9 =	sadd.s32 $0xFFFFFEF7, lr;
	s5 =	simm.s32 $0xFFFFFFFF;
	p2 =	slt.u32 s8, $0xFFFFF086  }
0x1c: {  	p1 =	slt.u32 s9, $0xF7A;
	s5 =	simm.s32 @!p2 $0x0  }
0x1d: {  	s5 =	simm.s32 @p1 $0x1;
	p0 =	seq.s32 s7, s2  }
0x1e: {  	s7 =	smul.u32 @!p0 $0xF7A, s2;
	p2 =	seq.s32 @!p0 s5, $0x0  }
0x1f: {  	s9 =	smul.u32 $0xF7A, s1;
	s8 =	simm.s32 @!p0 $0x1BF5;
	p2 =	por !p2, p0  }
0x20: {  	[sflag:s8] =	ssyncset.s32 @!p0 $0xFFFFF086;
	s6 =	sadd.s32 @!p0 s3, s7;
	s7 =	simm.s32 @!p0 $0x108  }
0x21: {  	s3 =	sadd.s32 s3, s9;
	s6 =	sadd.s32 @!p0 $0x88, s6;
	s7 =	simm.s32 @p2 $0x1082  }
0x22: {  	[simem:s7], [sflag:s8] =	dma.local @!p0 [hbm:s6], $0xF7A  }
0x23: {  	s9 =	sor.u32 $0xD0000000, s2;
	s6 =	simm.s32 $0x108;
	_ =	swait.ge @!p0 [sflag:s8], $0x0  }
0x24: {  	s3 =	sadd.s32 $0x88, s3;
	s6 =	simm.s32 @!p1 $0x1082;
	[sflag:s4] =	ssyncset.s32 $0xFFFFF086  }
0x25: {  	[simem:s6], [sflag:s4] =	dma.local [hbm:s3], $0xF7A  }
0x26: {  	[smem:$0x3F9F] =	sst s1;
	(tag) =	ssettag s2;
	_ =	strace s9  }
0x27: {  	s1 =	sld [smem:$0x3FAF]  }
0x28: {  	s2 =	sld [smem:$0x3FB0]  }
0x29: {  	s4 =	sld [smem:$0x3FB2]  }
0x2a: {  	p0 =	seq.s32 s5, $0x0;
	s5 =	sld [smem:$0x3FB3]  }
0x2b: {  	s6 =	sld [smem:$0x3FB4]  }
0x2c: {  	s7 =	sld [smem:$0x3FB5]  }
0x2d: {  	s3 =	simm.s32 $0x108;
	s8 =	sld [smem:$0x3FB6]  }
0x2e: {  	s3 =	simm.s32 @!p0 $0x1082;
	s9 =	sld [smem:$0x3FB7]  }
0x2f: {  	lr =	sadd.s32 s0, s3;
	s0 =	sld [smem:$0x3FAE]  }
0x30: {  	s3 =	sld [smem:$0x3FB1]  }
0x31: {  	[smem:$0x3FBA] =	sst s10  }
0x32: {  	s10 =	sld [smem:$0x3FB8];
	_ =	sdelay $0x3  }
0x33: {  	p0 =	seq.s32 s10, $0x1;
	s10 =	sld [smem:$0x3FBA];
	_ =	sdelay $0x3  }
0x34: {  	[smem:$0x3FBA] =	sst s10  }
0x35: {  	s10 =	sld [smem:$0x3FB9];
	_ =	sdelay $0x3  }
0x36: {  	p1 =	seq.s32 s10, $0x1;
	s10 =	sld [smem:$0x3FBA];
	_ =	sdelay $0x3  }
0x37: {  	[smem:$0x3FBA] =	sst s10  }
0x38: {  	s10 =	sld [smem:$0x3FBB]  }
0x39: {  	_ = 	snop;
	(pc) =	sbr.ind lr, $3  }
0x3a: {  	_ = 	snop  }
0x3b: {  	_ = 	snop  }
0x3c: {  	p2 =	seq.s32 s10, $0x1;
	s10 =	sld [smem:$0x3FBA]  }
0x3d: {  	_ =	shalt  }
0x3e: {  	_ =	shalt  }
0x3f: {  	_ =	shalt  }
0x40: {  	_ =	shalt  }
0x41: {  	_ =	shalt  }
0x42: {  	_ =	shalt  }
0x43: {  	_ =	shalt  }
0x44: {  	_ =	shalt  }
0x45: {  	_ =	shalt  }
0x46: {  	_ =	shalt  }
0x47: {  	_ =	shalt  }
0x48: {  	_ =	shalt  }
0x49: {  	_ =	shalt  }
0x4a: {  	_ =	shalt  }
0x4b: {  	_ =	shalt  }
0x4c: {  	_ =	shalt  }
0x4d: {  	_ =	shalt  }
0x4e: {  	_ =	shalt  }
0x4f: {  	_ =	shalt  }
0x50: {  	_ =	shalt  }
0x51: {  	_ =	shalt  }
0x52: {  	_ =	shalt  }
0x53: {  	_ =	shalt  }
0x54: {  	_ =	shalt  }
0x55: {  	_ =	shalt  }
0x56: {  	_ =	shalt  }
0x57: {  	_ =	shalt  }
0x58: {  	_ =	shalt  }
0x59: {  	_ =	shalt  }
0x5a: {  	_ =	shalt  }
0x5b: {  	_ =	shalt  }
0x5c: {  	_ =	shalt  }
0x5d: {  	_ =	shalt  }
0x5e: {  	_ =	shalt  }
0x5f: {  	_ =	shalt  }
0x60: {  	_ =	shalt  }
0x61: {  	_ =	shalt  }
0x62: {  	_ =	shalt  }
0x63: {  	_ =	shalt  }
0x64: {  	_ =	shalt  }
0x65: {  	_ =	shalt  }
0x66: {  	_ =	shalt  }
0x67: {  	_ =	shalt  }
0x68: {  	_ =	shalt  }
0x69: {  	_ =	shalt  }
0x6a: {  	_ =	shalt  }
0x6b: {  	_ =	shalt  }
0x6c: {  	_ =	shalt  }
0x6d: {  	_ =	shalt  }
0x6e: {  	_ =	shalt  }
0x6f: {  	_ =	shalt  }
0x70: {  	_ =	shalt  }
0x71: {  	_ =	shalt  }
0x72: {  	_ =	shalt  }
0x73: {  	_ =	shalt  }
0x74: {  	_ =	shalt  }
0x75: {  	_ =	shalt  }
0x76: {  	_ =	shalt  }
0x77: {  	_ =	shalt  }
0x78: {  	_ =	shalt  }
0x79: {  	_ =	shalt  }
0x7a: {  	_ =	shalt  }
0x7b: {  	_ =	shalt  }
0x7c: {  	_ =	shalt  }
0x7d: {  	_ =	shalt  }
0x7e: {  	_ =	shalt  }
0x7f: {  	_ =	shalt  }
0x80: {  	_ =	shalt  }
0x81: {  	_ =	shalt  }
0x82: {  	_ =	shalt  }
0x83: {  	_ =	shalt  }
0x84: {  	_ =	shalt  }
0x85: {  	_ =	shalt  }
0x86: {  	_ =	shalt  }
0x87: {  	_ =	shalt  }
.Lfunc_end0:
.L_simem_size_0:
called_computation.1_lowered:
.L_overlay_start_0:
0x88: {  	s2 =	sld [smem:$0x3FD9]  }
0x89: {  	s3 =	sld [smem:$0x3FFE];
	_ =	sdelay $0x1  }
0x8a: {  	s1 =	srdreg.scid  }
0x8b: {  	s0 =	sand.u32 $0x1, s1  }
0x8c: {  	s17 =	sshll.u32 s0, $0xA;
	s2 =	sadd.s32 s3, s2  }
0x8d: {  	s2 =	sadd.s32 s2, s17  }
0x8e: {  	[smem:$0x3FC6] =	sst s2  }
0x8f: {  	_ = 	snop  }
0x90: {  	s2 =	sld [smem:$0x3FD0];
	(tm) =	ssettm $0x1  }
0x91: {  	s18 =	sld [smem:$0x3FFB];
	_ =	sdelay $0x3  }
0x92: {  	_ =	strace s18  }
0x93: {  	s3 =	sld [smem:$0x3FFC];
	_ =	sdelay $0x3  }
0x94: {  	_ =	strace s3  }
0x95: {  	s3 =	sld [smem:$0x3FFD];
	_ =	sdelay $0x3  }
0x96: {  	_ =	strace s3  }
0x97: {  	_ =	strace $0x8FFFFFFF  }
0x98: {  	s19 =	sld [smem:$0x3FDB];
	_ =	sdelay $0x1  }
0x99: {  	s4 =	simm.s32 $_scs_section_size  }
0x9a: {  	s5 =	simm.s32 $_size__tile_overlayer_lowered;
	s6 =	simm.s32 $_tile_overlayer_lowered  }
0x9b: {  	s22 =	simm.s32 $0x1BFF;
	s21 =	sshll.u32 s6, $0x1;
	s3 =	sadd.s32 s4, s19  }
0x9c: {  	s7 =	simm.s32 $0x0;
	s20 =	sshll.u32 s5, $0x1;
	s5 =	sadd.s32 s21, s3  }
0x9d: {  	[timem:s7], [sflag:s22] =	dma.local [hbm:s5], s20  }
0x9e: {  	_ =	swait.ge [sflag:s22], s20  }
0x9f: {  	s4 =	ssub.s32 $0x0, s20;
	[sflag:s22] =	ssyncset.done $0x0  }
0xa0: {  	[sflag:s22] =	ssyncadd.s32 s4;
	_ =	sdelay $0x1  }
0xa1: {  	s23 =	simm.s32 $0x1B8B  }
0xa2: {  	_ =	swait.ge [sflag:s23], $0x1  }
0xa3: {  	[sflag:s23] =	ssyncset.done $0x0  }
0xa4: {  	s25 =	simm.s32 $0x1B8E;
	s24 =	sld [smem:$0x3FFE];
	[sflag:s23] =	ssyncadd.s32 $0xFFFFFFFF  }
0xa5: {  	s26 =	simm.s32 $execute0_lowered;
	[smem:$0x3FD2] =	sst s25  }
0xa6: {  	s5 =	sshll.u32 s26, $0x1;
	_ =	strace $0x80000046;
	[dreg:$0x1] =	wrdreg $0xFFFFFFFF  }
0xa7: {  	s28 =	simm.s32 $_size_execute0_lowered;
	s3 =	sadd.s32 s3, s5;
	[dreg:$0x0] =	wrdreg $0x0  }
0xa8: {  	s5 =	sshll.u32 s28, $0x1;
	[dreg:$0x2] =	wrdreg s3  }
0xa9: {  	[dreg:$0x3] =	wrdreg s5  }
0xaa: {  	[dreg:$0x4] =	wrdreg $0xC0  }
0xab: {  	_ =	task [dreg:s7], $0x5FFFF  }
0xac: {  	[dreg:$0x1] =	wrdreg $0xFFFFFFFF  }
0xad: {  	[dreg:$0x0] =	wrdreg $0x60  }
0xae: {  	[dreg:$0x2] =	wrdreg s24  }
0xaf: {  	[dreg:$0x3] =	wrdreg s2  }
0xb0: {  	[dreg:$0x4] =	wrdreg $0x9  }
0xb1: {  	_ =	task.clear_ibuf [dreg:s7], $0x5FFFF;
	_ =	strace $0x90000046  }
0xb2: {  	s29 =	simm.s32 $0x9;
	_ =	strace $0x80000048  }
0xb3: {  	_ =	swait.ge [sflag:s29], $0x1  }
0xb4: {  	[sflag:s29] =	ssyncadd.s32 $0xFFFFFFFF  }
0xb5: {  	_ =	strace $0x90000048  }
0xb6: {  	_ =	sfence  }
0xb7: {  	s30 =	sld [smem:$0x0];
	_ =	sdelay $0x2  }
0xb8: {  	s31 =	sshll.u32 s1, $0xD;
	s1 =	sshrl.u32 s1, $0x2  }
0xb9: {  	s3 =	sand.u32 $0x4000, s31;
	s1 =	sadd.s32 s1, s30  }
0xba: {  	s0 =	sor.u32 s3, s0;
	s1 =	sshll.u32 s1, $0x11  }
0xbb: {  	s0 =	sor.u32 s1, s0  }
0xbc: {  	s0 =	sadd.s32 $0x8F2B, s0  }
0xbd: {  	[sflag:s0] =	ssyncadd.remote.s32 $0x1  }
0xbe: {  	_ =	sfence.sel $0xFFFF  }
0xbf: {  	[dreg:$0x0] =	wrdreg $0xFFFFFFFF;
	(pc) =	sbr.abs _section_cstart, $3  }
0xc0: {  	[dreg:$0x1] =	wrdreg $0xFFFFFFFF  }
0xc1: {  	_ =	task.clear_ibuf [dreg:s7], $0x2FFFF;
	_ =	strace $0x9FFFFFFF  }
0xc2: {  	(tm) =	ssettm $0x7FFFFFFF  }
0xc3: {  	_ =	shalt  }
tec
execute0_lowered:
.L_overlay_start_1:
0x0: {  	(tag) =	ssettag $0x1  }
0x1: {  	s0 =	srdreg.scid;
	s2 =	stileid.u32  }
0x2: {  	s1 =	rddreg [dreg:$0x0];
	s0 =	sand.u32 $0x1, s0;
	s2 =	sshll.u32 s2, $0x1  }
0x3: {  	s3 =	rddreg [dreg:$0x1];
	s4 =	sor.u32 s0, s2;
	s2 =	simm.s32 $0x0  }
0x4: {  	s7 =	simm.s32 $0x5800;
	[smem:$0x7FF] =	sst s2  }
0x5: {  	s8 =	simm.s32 $0x6000;
	_ =	strace $0x80000047;
	[dreg:$0x4] =	wrdreg s7  }
0x6: {  	s9 =	simm.s32 $0x6800;
	s10 =	simm.s32 $0x7000;
	[dreg:$0x5] =	wrdreg s8  }
0x7: {  	s11 =	simm.s32 $0x7800;
	s12 =	simm.s32 $0x8000;
	[dreg:$0x6] =	wrdreg s9  }
0x8: {  	s14 =	simm.s32 $0x8800;
	s15 =	simm.s32 $0x9000;
	[dreg:$0x7] =	wrdreg s10  }
0x9: {  	s16 =	simm.s32 $0x9800;
	s17 =	simm.s32 $0xA000;
	[dreg:$0x8] =	wrdreg s11  }
0xa: {  	s18 =	simm.s32 $0xA800;
	s19 =	simm.s32 $0xB000;
	[dreg:$0x9] =	wrdreg s12  }
0xb: {  	s20 =	simm.s32 $0xB800;
	s21 =	simm.s32 $0xC000;
	[dreg:$0xa] =	wrdreg s14  }
0xc: {  	s22 =	simm.s32 $0xC800;
	s23 =	simm.s32 $0xD800;
	[dreg:$0xb] =	wrdreg s15  }
0xd: {  	s24 =	simm.s32 $0xE000;
	s25 =	simm.s32 $0xE800;
	[dreg:$0xc] =	wrdreg s16  }
0xe: {  	s26 =	simm.s32 $0xF000;
	s30 =	simm.s32 $0xF800;
	[dreg:$0xd] =	wrdreg s17  }
0xf: {  	s28 =	simm.s32 $0x14000;
	s29 =	simm.s32 $0x14800;
	[dreg:$0xe] =	wrdreg s18  }
0x10: {  	s31 =	simm.s32 $0x3;
	s0 =	ssub.s32 $0x2, s0;
	[dreg:$0xf] =	wrdreg s19  }
0x11: {  	s5 =	smul.u32 $0x50000, s4;
	s6 =	sshrl.u32 s0, $0x1;
	[dreg:$0x10] =	wrdreg s20  }
0x12: {  	s4 =	smul.u32 $0x500, s4;
	s0 =	ssub.s32 s0, s6;
	[dreg:$0x11] =	wrdreg s21  }
0x13: {  	s6 =	sadd.s32 $0x14B00, s1;
	s7 =	sadd.s32 $0x14C00, s1;
	[dreg:$0x12] =	wrdreg s22  }
0x14: {  	s8 =	sadd.s32 $0x14D00, s1;
	s9 =	sadd.s32 $0x14E00, s1;
	[dreg:$0x13] =	wrdreg s23  }
0x15: {  	s10 =	sadd.s32 $0x14F00, s1;
	s11 =	sadd.s32 $0x15000, s1;
	[dreg:$0x14] =	wrdreg s24  }
0x16: {  	s12 =	sadd.s32 $0x15100, s1;
	s14 =	simm.s32 $0x4;
	[dreg:$0x15] =	wrdreg s25  }
0x17: {  	s16 =	simm.s32 $0x5000;
	s17 =	simm.s32 $0x1;
	[dreg:$0x16] =	wrdreg s26  }
0x18: {  	s18 =	simm.s32 $0xD000;
	[dreg:$0x17] =	wrdreg s30;
	s19 =	simm.s32 $0x10000  }
0x19: {  	s20 =	simm.s32 $0x10800;
	s21 =	simm.s32 $0x11000;
	s22 =	simm.s32 $0x11800  }
0x1a: {  	s23 =	simm.s32 $0x12000;
	s24 =	simm.s32 $0x12800;
	s3 =	sadd.s32 s3, s5  }
0x1b: {  	s4 =	sadd.s32 s4, s1;
	s0 =	smax.u32 s0, $0x1;
	[dreg:$0x3] =	wrdreg s3  }
0x1c: {  	v2 =	vlaneseq.u32;
	s25 =	simm.s32 $0x13000;
	s13 =	sadd.s32 $0xA00, s4;
	[dreg:$0x1a] =	wrdreg s0  }
0x1d: {  	vm0 =	vmmov $0xffff;
	v1 =	vshrl.u32 v2, $0x3;
	s26 =	simm.s32 $0x13800;
	s4 =	sadd.s32 $0xAA00, s4;
	[dreg:$0x18] =	wrdreg s13  }
0x1e: {  	v0 =	vand.u32 $0x7, v2;
	v2 =	vor.u32 $0x8, v2;
	v1 =	vmul.u32 $0x8, v1;
	s3 =	sadd.s32 $0x14A00, s1;
	s1 =	simm.s32 $0x0;
	[dreg:$0x19] =	wrdreg s4  }
.LBB2_1:
0x1f: {  	s0 =	rddreg [dreg:$0x18]  }
0x20: {  	[tilespmem:s2], [sflag:$0x4] =	stream.linear.gather [hbm4b:s0+s2], $0x2800, $0x38;
	[tilespmem:$0x15000] =	vst v63  }
0x21: {  	_ =	swait.ge [sflag:s14], $0x2800  }
0x22: {  	[sflag:s14] =	ssyncset.done $0x0  }
0x23: {  	s4 =	simm.s32 $0x2800;
	s30 =	rddreg [dreg:$0x19];
	[sflag:s14] =	ssyncadd.s32 $0xFFFFD800  }
0x24: {  	[tilespmem:s4], [sflag:$0x4] =	stream.linear.gather [hbm4b:s30+s2], $0x2800, $0x38;
	[tilespmem:$0x15000] =	vst v63  }
0x25: {  	_ =	swait.ge [sflag:s14], $0x2800  }
0x26: {  	s15 =	simm.s32 $0x80;
	[sflag:s14] =	ssyncset.done $0x0  }
0x27: {  	s0 =	simm.s32 $0x2880;
	s4 =	simm.s32 $0x0;
	[sflag:s14] =	ssyncadd.s32 $0xFFFFD800  }
.LBB2_2:
0x28: {  	p0 =	seq.s32 s4, $0x0  }
0x29: {  	s5 =	simm.s32 @!p0 $0x2  }
0x2a: {  	_ =	swait.ge @!p0 [sflag:s5], $0x8000  }
0x2b: {  	[sflag:s5] =	ssyncset.done @!p0 $0x0  }
0x2c: {  	[sflag:s5] =	ssyncadd.s32 @!p0 $0xFFFF8000  }
0x2d: {  	v3 =	vld [tilespmem:s0+$0xFFFFFF80]  }
0x2e: {  	v4 =	vld [tilespmem:s15+$0xFFFFFF80];
	_ =	sdelay $0x3  }
0x2f: {  	v5 =	vshrl.u32 v3, $0x3  }
0x30: {  	v4 =	vadd.s32 v4, v5  }
0x31: {  	v3 =	vand.u32 $0x7, v3;
	v4 =	vshll.u32 v4, $0x7  }
0x32: {  	v3 =	vor.u32 v3, v4  }
0x33: {  	v4 =	vperm.xlane v3, v0;
	_ =	sdelay $0x1  }
0x34: {  	v4 =	vadd.s32 v1, v4;
	_ =	sdelay $0x4  }
0x35: {  	[tilespmem:s16], [sflag:$0x1] =	stream.indirect_vreg.gather [hbm4b:s3+s2], $0x80, v4, vm0, $0xb8;
	[tilespmem:$0x15000] =	vst v63  }
0x36: {  	s30 =	rddreg [dreg:$0x4]  }
0x37: {  	[tilespmem:s30], [sflag:$0x1] =	stream.indirect_vreg.gather [hbm4b:s6+s2], $0x80, v4, vm0, $0xb8;
	[tilespmem:$0x15000] =	vst v63  }
0x38: {  	s13 =	rddreg [dreg:$0x5]  }
0x39: {  	[tilespmem:s13], [sflag:$0x1] =	stream.indirect_vreg.gather [hbm4b:s7+s2], $0x80, v4, vm0, $0xb8;
	[tilespmem:$0x15000] =	vst v63  }
0x3a: {  	s30 =	rddreg [dreg:$0x6]  }
0x3b: {  	[tilespmem:s30], [sflag:$0x1] =	stream.indirect_vreg.gather [hbm4b:s8+s2], $0x80, v4, vm0, $0xb8;
	[tilespmem:$0x15000] =	vst v63  }
0x3c: {  	s13 =	rddreg [dreg:$0x7]  }
0x3d: {  	[tilespmem:s13], [sflag:$0x1] =	stream.indirect_vreg.gather [hbm4b:s9+s2], $0x80, v4, vm0, $0xb8;
	[tilespmem:$0x15000] =	vst v63  }
0x3e: {  	v3 =	vperm.xlane v3, v2;
	s30 =	rddreg [dreg:$0x8]  }
0x3f: {  	[tilespmem:s30], [sflag:$0x1] =	stream.indirect_vreg.gather [hbm4b:s10+s2], $0x80, v4, vm0, $0xb8;
	[tilespmem:$0x15000] =	vst v63  }
0x40: {  	v3 =	vadd.s32 v1, v3;
	s13 =	rddreg [dreg:$0x9]  }
0x41: {  	[tilespmem:s13], [sflag:$0x1] =	stream.indirect_vreg.gather [hbm4b:s11+s2], $0x80, v4, vm0, $0xb8;
	[tilespmem:$0x15000] =	vst v63  }
0x42: {  	s30 =	rddreg [dreg:$0xa]  }
0x43: {  	[tilespmem:s30], [sflag:$0x1] =	stream.indirect_vreg.gather [hbm4b:s12+s2], $0x80, v4, vm0, $0xb8;
	[tilespmem:$0x15000] =	vst v63  }
0x44: {  	s13 =	rddreg [dreg:$0xb]  }
0x45: {  	[tilespmem:s13], [sflag:$0x1] =	stream.indirect_vreg.gather [hbm4b:s3+s2], $0x80, v3, vm0, $0xb8;
	[tilespmem:$0x15000] =	vst v63  }
0x46: {  	s30 =	rddreg [dreg:$0xc]  }
0x47: {  	[tilespmem:s30], [sflag:$0x1] =	stream.indirect_vreg.gather [hbm4b:s6+s2], $0x80, v3, vm0, $0xb8;
	[tilespmem:$0x15000] =	vst v63  }
0x48: {  	s13 =	rddreg [dreg:$0xd]  }
0x49: {  	[tilespmem:s13], [sflag:$0x1] =	stream.indirect_vreg.gather [hbm4b:s7+s2], $0x80, v3, vm0, $0xb8;
	[tilespmem:$0x15000] =	vst v63  }
0x4a: {  	s30 =	rddreg [dreg:$0xe]  }
0x4b: {  	[tilespmem:s30], [sflag:$0x1] =	stream.indirect_vreg.gather [hbm4b:s8+s2], $0x80, v3, vm0, $0xb8;
	[tilespmem:$0x15000] =	vst v63  }
0x4c: {  	s13 =	rddreg [dreg:$0xf]  }
0x4d: {  	[tilespmem:s13], [sflag:$0x1] =	stream.indirect_vreg.gather [hbm4b:s9+s2], $0x80, v3, vm0, $0xb8;
	[tilespmem:$0x15000] =	vst v63  }
0x4e: {  	s30 =	rddreg [dreg:$0x10]  }
0x4f: {  	[tilespmem:s30], [sflag:$0x1] =	stream.indirect_vreg.gather [hbm4b:s10+s2], $0x80, v3, vm0, $0xb8;
	[tilespmem:$0x15000] =	vst v63  }
0x50: {  	s13 =	rddreg [dreg:$0x11]  }
0x51: {  	[tilespmem:s13], [sflag:$0x1] =	stream.indirect_vreg.gather [hbm4b:s11+s2], $0x80, v3, vm0, $0xb8;
	[tilespmem:$0x15000] =	vst v63  }
0x52: {  	s30 =	rddreg [dreg:$0x12]  }
0x53: {  	[tilespmem:s30], [sflag:$0x1] =	stream.indirect_vreg.gather [hbm4b:s12+s2], $0x80, v3, vm0, $0xb8;
	[tilespmem:$0x15000] =	vst v63  }
0x54: {  	_ =	swait.ge [sflag:s17], $0x8000  }
0x55: {  	s30 =	rddreg [dreg:$0x3];
	[sflag:s17] =	ssyncset.done $0x0  }
0x56: {  	s13 =	simm.s32 @!p0 $0x3;
	[sflag:s17] =	ssyncadd.s32 $0xFFFF8000;
	s5 =	sadd.s32 s4, s30  }
0x57: {  	[hbm4b:s5+s2] =	stream.linear.scatter [tilespmem:s16], [sflag:$0x2], $0x8000, $0x38;
	[tilespmem:$0x15000] =	vst v63  }
0x58: {  	_ =	swait.ge @!p0 [sflag:s13], $0x8000  }
0x59: {  	[sflag:s13] =	ssyncset.done @!p0 $0x0  }
0x5a: {  	[sflag:s13] =	ssyncadd.s32 @!p0 $0xFFFF8000  }
0x5b: {  	v3 =	vld [tilespmem:s0+$0x0]  }
0x5c: {  	v62 =	vld [tilespmem:s15+$0x0];
	_ =	sdelay $0x3  }
0x5d: {  	v63 =	vshrl.u32 v3, $0x3  }
0x5e: {  	v4 =	vadd.s32 v62, v63  }
0x5f: {  	v3 =	vand.u32 $0x7, v3;
	v4 =	vshll.u32 v4, $0x7  }
0x60: {  	v3 =	vor.u32 v3, v4  }
0x61: {  	v4 =	vperm.xlane v3, v0;
	_ =	sdelay $0x1  }
0x62: {  	v4 =	vadd.s32 v1, v4;
	_ =	sdelay $0x4  }
0x63: {  	[tilespmem:s18], [sflag:$0x1] =	stream.indirect_vreg.gather [hbm4b:s3+s2], $0x80, v4, vm0, $0xb8;
	[tilespmem:$0x15000] =	vst v63  }
0x64: {  	s13 =	rddreg [dreg:$0x13]  }
0x65: {  	[tilespmem:s13], [sflag:$0x1] =	stream.indirect_vreg.gather [hbm4b:s6+s2], $0x80, v4, vm0, $0xb8;
	[tilespmem:$0x15000] =	vst v63  }
0x66: {  	s30 =	rddreg [dreg:$0x14]  }
0x67: {  	[tilespmem:s30], [sflag:$0x1] =	stream.indirect_vreg.gather [hbm4b:s7+s2], $0x80, v4, vm0, $0xb8;
	[tilespmem:$0x15000] =	vst v63  }
0x68: {  	s13 =	rddreg [dreg:$0x15]  }
0x69: {  	[tilespmem:s13], [sflag:$0x1] =	stream.indirect_vreg.gather [hbm4b:s8+s2], $0x80, v4, vm0, $0xb8;
	[tilespmem:$0x15000] =	vst v63  }
0x6a: {  	s30 =	rddreg [dreg:$0x16]  }
0x6b: {  	[tilespmem:s30], [sflag:$0x1] =	stream.indirect_vreg.gather [hbm4b:s9+s2], $0x80, v4, vm0, $0xb8;
	[tilespmem:$0x15000] =	vst v63  }
0x6c: {  	v3 =	vperm.xlane v3, v2;
	s13 =	rddreg [dreg:$0x17]  }
0x6d: {  	[tilespmem:s13], [sflag:$0x1] =	stream.indirect_vreg.gather [hbm4b:s10+s2], $0x80, v4, vm0, $0xb8;
	[tilespmem:$0x15000] =	vst v63  }
0x6e: {  	v3 =	vadd.s32 v1, v3  }
0x6f: {  	[tilespmem:s19], [sflag:$0x1] =	stream.indirect_vreg.gather [hbm4b:s11+s2], $0x80, v4, vm0, $0xb8;
	[tilespmem:$0x15000] =	vst v63  }
0x70: {  	_ = 	snop  }
0x71: {  	[tilespmem:s20], [sflag:$0x1] =	stream.indirect_vreg.gather [hbm4b:s12+s2], $0x80, v4, vm0, $0xb8;
	[tilespmem:$0x15000] =	vst v63  }
0x72: {  	_ = 	snop  }
0x73: {  	[tilespmem:s21], [sflag:$0x1] =	stream.indirect_vreg.gather [hbm4b:s3+s2], $0x80, v3, vm0, $0xb8;
	[tilespmem:$0x15000] =	vst v63  }
0x74: {  	_ = 	snop  }
0x75: {  	[tilespmem:s22], [sflag:$0x1] =	stream.indirect_vreg.gather [hbm4b:s6+s2], $0x80, v3, vm0, $0xb8;
	[tilespmem:$0x15000] =	vst v63  }
0x76: {  	_ = 	snop  }
0x77: {  	[tilespmem:s23], [sflag:$0x1] =	stream.indirect_vreg.gather [hbm4b:s7+s2], $0x80, v3, vm0, $0xb8;
	[tilespmem:$0x15000] =	vst v63  }
0x78: {  	_ = 	snop  }
0x79: {  	[tilespmem:s24], [sflag:$0x1] =	stream.indirect_vreg.gather [hbm4b:s8+s2], $0x80, v3, vm0, $0xb8;
	[tilespmem:$0x15000] =	vst v63  }
0x7a: {  	_ = 	snop  }
0x7b: {  	[tilespmem:s25], [sflag:$0x1] =	stream.indirect_vreg.gather [hbm4b:s9+s2], $0x80, v3, vm0, $0xb8;
	[tilespmem:$0x15000] =	vst v63  }
0x7c: {  	_ = 	snop  }
0x7d: {  	[tilespmem:s26], [sflag:$0x1] =	stream.indirect_vreg.gather [hbm4b:s10+s2], $0x80, v3, vm0, $0xb8;
	[tilespmem:$0x15000] =	vst v63  }
0x7e: {  	s4 =	sadd.s32 $0x2000, s4  }
0x7f: {  	[tilespmem:s28], [sflag:$0x1] =	stream.indirect_vreg.gather [hbm4b:s11+s2], $0x80, v3, vm0, $0xb8;
	[tilespmem:$0x15000] =	vst v63  }
0x80: {  	p0 =	sne.s32 s4, $0x50000  }
0x81: {  	[tilespmem:s29], [sflag:$0x1] =	stream.indirect_vreg.gather [hbm4b:s12+s2], $0x80, v3, vm0, $0xb8;
	[tilespmem:$0x15000] =	vst v63  }
.Ltmp0:
0x82: {  	_ = 	snop;
	(pc) =	sbr.rel @p0 .LBB2_2-.Ltmp0, $4  }
0x83: {  	_ =	swait.ge [sflag:s17], $0x8000  }
0x84: {  	s5 =	sadd.s32 $0x1000, s5;
	[sflag:s17] =	ssyncset.done $0x0  }
0x85: {  	s0 =	sadd.s32 $0x100, s0;
	s15 =	sadd.s32 $0x100, s15;
	[sflag:s17] =	ssyncadd.s32 $0xFFFF8000  }
0x86: {  	[hbm4b:s5+s2] =	stream.linear.scatter [tilespmem:s18], [sflag:$0x3], $0x8000, $0x38;
	[tilespmem:$0x15000] =	vst v63  }
0x87: {  	s0 =	simm.s32 $0x2  }
0x88: {  	_ =	swait.ge [sflag:s0], $0x8000  }
0x89: {  	[sflag:s0] =	ssyncset.done $0x0  }
0x8a: {  	[sflag:s0] =	ssyncadd.s32 $0xFFFF8000  }
0x8b: {  	_ =	swait.ge [sflag:s31], $0x8000  }
0x8c: {  	s1 =	sadd.s32 $0x1, s1;
	s30 =	rddreg [dreg:$0x1a]  }
0x8d: {  	p0 =	sne.s32 s1, s30  }
.Ltmp1:
0x8e: {  	_ = 	snop;
	(pc) =	sbr.rel @p0 .LBB2_1-.Ltmp1, $3  }
0x8f: {  	_ =	sdelay $0x1  }
0x90: {  	[sflag:s31] =	ssyncset.done $0x0  }
0x91: {  	[sflag:s31] =	ssyncadd.s32 $0xFFFF8000  }
0x92: {  	_ =	sfence.sel $0x180000  }
0x93: {  	[bflag:$0x0] =	sbarrier.arrive $0xFFFF  }
0x94: {  	_ =	strace $0x90000047  }
0x95: {  	s0 =	stileid.u32;
	[bflag:$0x2] =	sbarrier.arrive $0xFFFF  }
0x96: {  	p0 =	sne.s32 s0, $0x0;
	s0 =	rddreg [dreg:$0x2]  }
0x97: {  	s0 =	sadd.s32 @!p0 $0x100000, s0  }
0x98: {  	[sflag:s0] =	ssyncadd.tile.s32 @!p0 $0x1;
	_ =	shalt  }
.Lfunc_end2:
_tile_overlayer_lowered:
.L_overlay_start_2:
0x99: {  	(tag) =	ssettag $0x2  }
0x9a: {  	s0 =	rddreg [dreg:$0x0];
	s2 =	stileid.u32  }
0x9b: {  	s1 =	rddreg [dreg:$0x1];
	p0 =	sne.s32 s2, $0x0  }
0x9c: {  	s3 =	rddreg [dreg:$0x2];
	[bflag:$0x3] =	sbarrier.arrive $0xFFFF;
	s2 =	simm.s32 @!p0 $0x1C04  }
0x9d: {  	[timem:s3], [sflag:s2] =	dma.local @!p0 [hbm:s0], s1  }
0x9e: {  	s0 =	simm.s32 @!p0 $0x4  }
0x9f: {  	_ =	swait.ge @!p0 [sflag:s0], s1  }
0xa0: {  	s1 =	ssub.s32 @!p0 $0x0, s1;
	[sflag:s0] =	ssyncset.done @!p0 $0x0  }
0xa1: {  	[sflag:s0] =	ssyncadd.s32 @!p0 s1  }
0xa2: {  	[bflag:$0x3] =	sbarrier.arrive $0xFFFF  }
0xa3: {  	_ =	shalt  }

// kernel: sparse-core-data-format-call.cloned.1.call-start
scs
called_computation_lowered:
.L_overlay_start_0:
0x0: {  	s2 =	sld [smem:$0x3FD9]  }
0x1: {  	s3 =	sld [smem:$0x3FFE];
	_ =	sdelay $0x1  }
0x2: {  	s1 =	srdreg.scid  }
0x3: {  	s0 =	sand.u32 $0x1, s1  }
0x4: {  	s18 =	sshll.u32 s0, $0xA;
	s2 =	sadd.s32 s3, s2  }
0x5: {  	s2 =	sadd.s32 s2, s18  }
0x6: {  	[smem:$0x3FC6] =	sst s2  }
0x7: {  	_ = 	snop  }
0x8: {  	s2 =	sld [smem:$0x3FD0];
	(tm) =	ssettm $0x1  }
0x9: {  	s19 =	sld [smem:$0x3FFB];
	_ =	sdelay $0x3  }
0xa: {  	_ =	strace s19  }
0xb: {  	s3 =	sld [smem:$0x3FFC];
	_ =	sdelay $0x3  }
0xc: {  	_ =	strace s3  }
0xd: {  	s3 =	sld [smem:$0x3FFD];
	_ =	sdelay $0x3  }
0xe: {  	_ =	strace s3  }
0xf: {  	_ =	strace $0x8FFFFFFF  }
0x10: {  	s20 =	sld [smem:$0x3FDB];
	_ =	sdelay $0x1  }
0x11: {  	s4 =	simm.s32 $_scs_section_size  }
0x12: {  	s5 =	simm.s32 $_size__tile_overlayer_lowered;
	s6 =	simm.s32 $_tile_overlayer_lowered  }
0x13: {  	s23 =	simm.s32 $0x1BFF;
	s22 =	sshll.u32 s6, $0x1;
	s3 =	sadd.s32 s4, s20  }
0x14: {  	s7 =	simm.s32 $0x0;
	s21 =	sshll.u32 s5, $0x1;
	s5 =	sadd.s32 s22, s3  }
0x15: {  	[timem:s7], [sflag:s23] =	dma.local [hbm:s5], s21  }
0x16: {  	_ =	swait.ge [sflag:s23], s21  }
0x17: {  	s4 =	ssub.s32 $0x0, s21;
	[sflag:s23] =	ssyncset.done $0x0  }
0x18: {  	[sflag:s23] =	ssyncadd.s32 s4;
	_ =	sdelay $0x1  }
0x19: {  	s24 =	simm.s32 $0x1B8B  }
0x1a: {  	_ =	swait.ge [sflag:s24], $0x1  }
0x1b: {  	[sflag:s24] =	ssyncset.done $0x0  }
0x1c: {  	s26 =	simm.s32 $0x1B8E;
	s25 =	sld [smem:$0x3FFE];
	[sflag:s24] =	ssyncadd.s32 $0xFFFFFFFF  }
0x1d: {  	s27 =	simm.s32 $execute0_lowered;
	[smem:$0x3FD2] =	sst s26  }
0x1e: {  	s5 =	sshll.u32 s27, $0x1;
	_ =	strace $0x80000049;
	[dreg:$0x1] =	wrdreg $0xFFFFFFFF  }
0x1f: {  	s28 =	simm.s32 $_size_execute0_lowered;
	s3 =	sadd.s32 s3, s5;
	[dreg:$0x0] =	wrdreg $0x0  }
0x20: {  	s5 =	sshll.u32 s28, $0x1;
	[dreg:$0x2] =	wrdreg s3  }
0x21: {  	[dreg:$0x3] =	wrdreg s5  }
0x22: {  	[dreg:$0x4] =	wrdreg $0xC0  }
0x23: {  	_ =	task [dreg:s7], $0x5FFFF  }
0x24: {  	[dreg:$0x1] =	wrdreg $0xFFFFFFFF  }
0x25: {  	[dreg:$0x0] =	wrdreg $0x60  }
0x26: {  	[dreg:$0x2] =	wrdreg s25  }
0x27: {  	[dreg:$0x3] =	wrdreg s2  }
0x28: {  	[dreg:$0x4] =	wrdreg $0x9  }
0x29: {  	_ =	task.clear_ibuf [dreg:s7], $0x5FFFF;
	_ =	strace $0x90000049  }
0x2a: {  	s29 =	simm.s32 $0x9;
	_ =	strace $0x8000004B  }
0x2b: {  	_ =	swait.ge [sflag:s29], $0x1  }
0x2c: {  	[sflag:s29] =	ssyncadd.s32 $0xFFFFFFFF  }
0x2d: {  	_ =	strace $0x9000004B  }
0x2e: {  	_ =	sfence  }
0x2f: {  	s30 =	sld [smem:$0x0];
	_ =	sdelay $0x2  }
0x30: {  	s31 =	sshll.u32 s1, $0xD;
	s1 =	sshrl.u32 s1, $0x2  }
0x31: {  	s3 =	sand.u32 $0x4000, s31;
	s1 =	sadd.s32 s1, s30  }
0x32: {  	s0 =	sor.u32 s3, s0;
	s1 =	sshll.u32 s1, $0x11  }
0x33: {  	s0 =	sor.u32 s1, s0  }
0x34: {  	s0 =	sadd.s32 $0x8F2B, s0  }
0x35: {  	[sflag:s0] =	ssyncadd.remote.s32 $0x1  }
0x36: {  	_ =	sfence.sel $0xFFFF  }
0x37: {  	[dreg:$0x0] =	wrdreg $0xFFFFFFFF;
	(pc) =	sbr.abs _section_cstart, $3  }
0x38: {  	[dreg:$0x1] =	wrdreg $0xFFFFFFFF  }
0x39: {  	_ =	task.clear_ibuf [dreg:s7], $0x2FFFF;
	_ =	strace $0x9FFFFFFF  }
0x3a: {  	(tm) =	ssettm $0x7FFFFFFF  }
0x3b: {  	_ =	shalt  }
tec
execute0_lowered:
.L_overlay_start_1:
0x0: {  	(tag) =	ssettag $0x1  }
0x1: {  	s0 =	srdreg.scid  }
0x2: {  	s1 =	sshll.u32 s0, $0x4  }
0x3: {  	s6 =	rddreg [dreg:$0x0];
	s0 =	stileid.u32;
	s1 =	sand.u32 $0x10, s1  }
0x4: {  	s3 =	rddreg [dreg:$0x1];
	s1 =	sor.u32 s0, s1  }
0x5: {  	s5 =	simm.s32 $0x1;
	s31 =	simm.s32 $0x2;
	s2 =	sshll.u32 s1, $0x7  }
0x6: {  	s14 =	simm.s32 $0x0;
	s8 =	simm.s32 $0x2000;
	s4 =	ssub.s32 $0x1000, s2  }
0x7: {  	s9 =	simm.s32 $0x0;
	s15 =	simm.s32 $0x0;
	s30 =	sand.u32 $0xF80, s4  }
0x8: {  	s16 =	simm.s32 $0x0;
	s10 =	simm.s32 $0x0;
	p0 =	sne.s32 s30, $0x0  }
.Ltmp0:
0x9: {  	s7 =	sshrl.u32 s4, $0xC;
	s5 =	simm.s32 @!p0 $0x0;
	(pc) =	sbr.rel .LBB1_1-.Ltmp0, $4  }
0xa: {  	s11 =	simm.s32 $0x0;
	s1 =	rddreg [dreg:$0x2];
	s5 =	sadd.s32 s5, s7  }
0xb: {  	_ =	strace $0x8000004A;
	s4 =	simm.s32 $0x1;
	s5 =	smul.u32 $0xA0, s5  }
0xc: {  	s13 =	simm.s32 $0x0;
	s6 =	sadd.s32 $0xA00, s6;
	[sflag:s4] =	ssyncpa.u1 $0x0  }
0xd: {  	s12 =	smov.u32 s2;
	[sflag:s31] =	ssyncpa.u1 $0x0;
	s7 =	sor.u32 $0x1, s5  }
.LBB1_4:
0xe: {  	_ =	sdelay $0x3  }
0xf: {  	[tilespmem:v0+s19+$0xFFFFFFD0 ss:$0x1] =	vst.idx.msk $0xffff, v6  }
0x10: {  	v56 =	vld.idx.msk [tilespmem:v1+s18+$0x0 ss:$0x1], $0xffff;
	[tilespmem:v0+s19+$0xFFFFFFE0 ss:$0x1] =	vst.idx.msk $0xffff, v4  }
0x11: {  	v57 =	vld.idx.msk [tilespmem:v1+s18+$0xFFFFFF90 ss:$0x1], $0xffff;
	[tilespmem:v0+s19+$0xFFFFFFF0 ss:$0x1] =	vst.idx.msk $0xffff, v2  }
0x12: {  	v58 =	vld.idx.msk [tilespmem:v1+s18+$0xFFFFFFA0 ss:$0x1], $0xffff;
	[tilespmem:v0+s19+$0x0 ss:$0x1] =	vst.idx.msk $0xffff, v3  }
0x13: {  	v59 =	vld.idx.msk [tilespmem:v1+s18+$0xFFFFFFB0 ss:$0x1], $0xffff;
	[tilespmem:v0+s19+$0x10 ss:$0x1] =	vst.idx.msk $0xffff, v5  }
0x14: {  	v60 =	vld.idx.msk [tilespmem:v1+s18+$0xFFFFFFC0 ss:$0x1], $0xffff;
	[tilespmem:v0+s19+$0x20 ss:$0x1] =	vst.idx.msk $0xffff, v7  }
0x15: {  	v61 =	vld.idx.msk [tilespmem:v1+s18+$0xFFFFFFD0 ss:$0x1], $0xffff;
	[tilespmem:v0+s18+$0x30 ss:$0x1] =	vst.idx.msk $0xffff, v56  }
0x16: {  	v62 =	vld.idx.msk [tilespmem:v1+s18+$0xFFFFFFE0 ss:$0x1], $0xffff;
	[tilespmem:v0+s18+$0xFFFFFFC0 ss:$0x1] =	vst.idx.msk $0xffff, v57  }
0x17: {  	v63 =	vld.idx.msk [tilespmem:v1+s18+$0xFFFFFFF0 ss:$0x1], $0xffff;
	s16 =	sshll.u32 s16, $0x7;
	[tilespmem:v0+s18+$0xFFFFFFD0 ss:$0x1] =	vst.idx.msk $0xffff, v58  }
0x18: {  	s30 =	sand.u32 $0x78, s14;
	s15 =	sshll.u32 s15, $0x13;
	s20 =	sand.u32 $0x380, s16;
	[tilespmem:v0+s18+$0xFFFFFFE0 ss:$0x1] =	vst.idx.msk $0xffff, v59  }
0x19: {  	s31 =	sand.u32 $0x7, s14;
	s16 =	sand.u32 $0x7FC00, s16;
	s19 =	sor.u32 s20, s30;
	[tilespmem:v0+s18+$0xFFFFFFF0 ss:$0x1] =	vst.idx.msk $0xffff, v60  }
0x1a: {  	s15 =	sadd.s32 s3, s15;
	s16 =	sadd.s32 s14, s16;
	s19 =	sshrl.u32 s19, $0x3;
	[tilespmem:v0+s18+$0x0 ss:$0x1] =	vst.idx.msk $0xffff, v61  }
0x1b: {  	s14 =	sshll.u32 s31, $0x12;
	s16 =	sand.u32 $0x7FF80, s16;
	s15 =	sadd.s32 s19, s15;
	[tilespmem:v0+s18+$0x10 ss:$0x1] =	vst.idx.msk $0xffff, v62  }
0x1c: {  	s14 =	sor.u32 $0x400, s14;
	[tilespmem:v0+s18+$0x20 ss:$0x1] =	vst.idx.msk $0xffff, v63;
	s15 =	sadd.s32 s16, s15  }
0x1d: {  	[hbm4b:s15+s14] =	stream.strided.scatter [tilespmem:s17], [sflag:$0x2], $0x4000, s8, s14, $0x38;
	[tilespmem:$0x10000] =	vst v63  }
.LBB1_5:
0x1e: {  	s17 =	sadd.s32 $0x80, s10  }
0x1f: {  	s14 =	simm.s32 $0x1;
	p1 =	sgt.s32 s17, $0x3FF  }
0x20: {  	s14 =	simm.s32 @!p1 $0x0  }
0x21: {  	s18 =	sadd.s32 s14, s11  }
0x22: {  	s20 =	smov.u32 s12;
	s14 =	sadd.s32 $0x1000, s12;
	p2 =	sgt.s32 s18, $0x13  }
0x23: {  	s20 =	smov.u32 @p2 s14  }
0x24: {  	p0 =	slt.u32 s13, $0x2;
	s17 =	simm.s32 @p1 $0x0;
	p1 =	sgt.s32 s20, $0xFFF  }
0x25: {  	s19 =	simm.s32 @!p0 $0x2;
	s20 =	smov.u32 @p1 s2;
	p1 =	sne.s32 s13, s7  }
.Ltmp1:
0x26: {  	_ =	swait.ge @!p0 [sflag:s19], $0x4000;
	(pc) =	sbr.rel @!p1 .LBB1_6-.Ltmp1, $4  }
0x27: {  	s15 =	smov.u32 s11;
	[sflag:s19] =	ssyncset.done @!p0 $0x0  }
0x28: {  	s16 =	smov.u32 s12;
	s9 =	sadd.s32 $0x4000, s9;
	[sflag:s19] =	ssyncadd.s32 @!p0 $0xFFFFC000  }
0x29: {  	s18 =	simm.s32 @p2 $0x0;
	s14 =	smov.u32 s10;
	s10 =	smov.u32 s17  }
0x2a: {  	s11 =	smov.u32 s18;
	s13 =	sadd.s32 $0x1, s13;
	s12 =	smov.u32 s20  }
.LBB1_1:
0x2b: {  	p0 =	sge.u32 s13, s5  }
0x2c: {  	s17 =	sshll.u32 @!p0 s11, $0xA  }
0x2d: {  	s18 =	sshll.u32 @!p0 s10, $0x3;
	s17 =	sand.u32 @!p0 $0xFFFFE000, s17  }
0x2e: {  	s17 =	sadd.s32 @!p0 s17, s18  }
0x2f: {  	s17 =	sshrl.u32 @!p0 s17, $0xA  }
0x30: {  	s18 =	smulhi.u32 @!p0 $0xAAAAAAB, s17  }
0x31: {  	s19 =	sshll.u32 @!p0 s11, $0x7;
	s21 =	smul.u32 @!p0 $0xC00, s12  }
0x32: {  	s20 =	sand.u32 @!p0 $0x78, s10;
	s19 =	sand.u32 @!p0 $0x380, s19;
	s18 =	smul.u32 @!p0 $0x18, s18  }
0x33: {  	s31 =	sadd.s32 $0xFFFFFFFF, s13;
	s19 =	sor.u32 @!p0 s20, s19;
	s20 =	sadd.s32 @!p0 s6, s21  }
0x34: {  	s19 =	sshrl.u32 @!p0 s19, $0x3;
	s17 =	ssub.s32 @!p0 s17, s18;
	s18 =	sxor.u32 @!p0 $0xFFFFFFFF, s13  }
0x35: {  	s19 =	sadd.s32 @!p0 s19, s20;
	s20 =	sand.u32 @!p0 $0x7, s10;
	s18 =	sshll.u32 @!p0 s18, $0xE  }
0x36: {  	s20 =	sshll.u32 @!p0 s20, $0x12;
	s17 =	sshll.u32 @!p0 s17, $0x7;
	s18 =	sand.u32 @!p0 $0x4000, s18  }
0x37: {  	s17 =	sadd.s32 @!p0 s17, s19;
	s19 =	sor.u32 @!p0 $0x80, s20;
	s20 =	simm.s32 @!p0 $0x6000  }
0x38: {  	[tilespmem:s18], [sflag:$0x1] =	stream.strided.gather @!p0 [hbm4b:s17+s19], $0x4000, s20, s19, $0x38;
	[tilespmem:$0x10000] =	vst v63  }
0x39: {  	p0 =	sge.u32 s31, s5  }
.Ltmp2:
0x3a: {  	_ = 	snop;
	(pc) =	sbr.rel @p0 .LBB1_5-.Ltmp2, $1  }
0x3b: {  	_ =	sdelay $0x3  }
0x3c: {  	s17 =	sand.u32 $0x4000, s9  }
0x3d: {  	s18 =	sor.u32 $0x70, s17  }
0x3e: {  	v1 =	vmov s18;
	_ =	sdelay $0x1  }
0x3f: {  	_ =	swait.ge [sflag:s4], $0x4000  }
0x40: {  	[sflag:s4] =	ssyncset.done $0x0  }
0x41: {  	s19 =	simm.s32 $0x0;
	[sflag:s4] =	ssyncadd.s32 $0xFFFFC000  }
0x42: {  	s17 =	sor.u32 $0x8040, s17;
	v7 =	vld.idx.msk [tilespmem:v1+s19+$0x0 ss:$0x1], $0xffff  }
0x43: {  	v0 =	vmov s17;
	v8 =	vld.idx.msk [tilespmem:v1+s19+$0xFFFFFF90 ss:$0x1], $0xffff  }
0x44: {  	v6 =	vld.idx.msk [tilespmem:v1+s19+$0xFFFFFFA0 ss:$0x1], $0xffff  }
0x45: {  	v4 =	vld.idx.msk [tilespmem:v1+s19+$0xFFFFFFB0 ss:$0x1], $0xffff  }
0x46: {  	v2 =	vld.idx.msk [tilespmem:v1+s19+$0xFFFFFFC0 ss:$0x1], $0xffff  }
0x47: {  	s31 =	sshll.u32 s13, $0xE;
	v3 =	vld.idx.msk [tilespmem:v1+s19+$0xFFFFFFD0 ss:$0x1], $0xffff  }
0x48: {  	s17 =	sand.u32 $0x4000, s31;
	v5 =	vld.idx.msk [tilespmem:v1+s19+$0xFFFFFFE0 ss:$0x1], $0xffff;
	[tilespmem:v0+s19+$0x30 ss:$0x1] =	vst.idx.msk $0xffff, v7  }
0x49: {  	s20 =	simm.s32 $0x400;
	s18 =	simm.s32 $0x80;
	s17 =	sor.u32 $0x8000, s17;
	[tilespmem:v0+s19+$0xFFFFFFC0 ss:$0x1] =	vst.idx.msk $0xffff, v8;
	v7 =	vld.idx.msk [tilespmem:v1+s19+$0xFFFFFFF0 ss:$0x1], $0xffff  }
.LBB1_3:
0x4a: {  	p0 =	sne.s32 s20, $0xFE00;
	v8 =	vld.idx.msk [tilespmem:v1+s18+$0x0 ss:$0x1], $0xffff;
	[tilespmem:v0+s19+$0xFFFFFFD0 ss:$0x1] =	vst.idx.msk $0xffff, v6  }
0x4b: {  	v9 =	vld.idx.msk [tilespmem:v1+s18+$0xFFFFFF90 ss:$0x1], $0xffff;
	[tilespmem:v0+s19+$0xFFFFFFE0 ss:$0x1] =	vst.idx.msk $0xffff, v4  }
0x4c: {  	v6 =	vld.idx.msk [tilespmem:v1+s18+$0xFFFFFFA0 ss:$0x1], $0xffff;
	[tilespmem:v0+s19+$0xFFFFFFF0 ss:$0x1] =	vst.idx.msk $0xffff, v2  }
.Ltmp3:
0x4d: {  	v4 =	vld.idx.msk [tilespmem:v1+s18+$0xFFFFFFB0 ss:$0x1], $0xffff;
	[tilespmem:v0+s19+$0x0 ss:$0x1] =	vst.idx.msk $0xffff, v3;
	(pc) =	sbr.rel @p0 .LBB1_3-.Ltmp3, $4  }
0x4e: {  	v2 =	vld.idx.msk [tilespmem:v1+s18+$0xFFFFFFC0 ss:$0x1], $0xffff;
	[tilespmem:v0+s19+$0x10 ss:$0x1] =	vst.idx.msk $0xffff, v5  }
0x4f: {  	v3 =	vld.idx.msk [tilespmem:v1+s18+$0xFFFFFFD0 ss:$0x1], $0xffff;
	[tilespmem:v0+s19+$0x20 ss:$0x1] =	vst.idx.msk $0xffff, v7;
	s19 =	smov.u32 s18  }
0x50: {  	v5 =	vld.idx.msk [tilespmem:v1+s19+$0xFFFFFFE0 ss:$0x1], $0xffff;
	[tilespmem:v0+s19+$0x30 ss:$0x1] =	vst.idx.msk $0xffff, v8  }
0x51: {  	s18 =	sshra.s32 s20, $0x2;
	s20 =	sadd.s32 $0x200, s20;
	[tilespmem:v0+s19+$0xFFFFFFC0 ss:$0x1] =	vst.idx.msk $0xffff, v9;
	v7 =	vld.idx.msk [tilespmem:v1+s19+$0xFFFFFFF0 ss:$0x1], $0xffff  }
.Ltmp4:
0x52: {  	_ = 	snop;
	(pc) =	sbr.rel .LBB1_4-.Ltmp4, $1  }
0x53: {  	_ =	sdelay $0x3  }
.LBB1_6:
0x54: {  	_ =	sfence.sel $0x180000  }
0x55: {  	s2 =	simm.s32 $0x1;
	[bflag:$0x0] =	sbarrier.arrive $0xFFFF  }
0x56: {  	s31 =	simm.s32 $0x2;
	[sflag:s2] =	ssyncpa.u1 $0x1  }
0x57: {  	[sflag:s31] =	ssyncpa.u1 $0x1  }
0x58: {  	p0 =	sne.s32 s0, $0x0;
	_ =	strace $0x9000004A  }
0x59: {  	s0 =	sadd.s32 @!p0 $0x100000, s1;
	[bflag:$0x2] =	sbarrier.arrive $0xFFFF  }
0x5a: {  	[sflag:s0] =	ssyncadd.tile.s32 @!p0 $0x1;
	_ =	shalt  }
.Lfunc_end1:
_tile_overlayer_lowered:
.L_overlay_start_2:
0x5b: {  	(tag) =	ssettag $0x2  }
0x5c: {  	s0 =	rddreg [dreg:$0x0];
	s2 =	stileid.u32  }
0x5d: {  	s1 =	rddreg [dreg:$0x1];
	p0 =	sne.s32 s2, $0x0  }
0x5e: {  	s3 =	rddreg [dreg:$0x2];
	[bflag:$0x3] =	sbarrier.arrive $0xFFFF;
	s2 =	simm.s32 @!p0 $0x1C01  }
0x5f: {  	[timem:s3], [sflag:s2] =	dma.local @!p0 [hbm:s0], s1  }
0x60: {  	s0 =	simm.s32 @!p0 $0x1  }
0x61: {  	_ =	swait.ge @!p0 [sflag:s0], s1  }
0x62: {  	s1 =	ssub.s32 @!p0 $0x0, s1;
	[sflag:s0] =	ssyncset.done @!p0 $0x0  }
0x63: {  	[sflag:s0] =	ssyncadd.s32 @!p0 s1  }
0x64: {  	[bflag:$0x3] =	sbarrier.arrive $0xFFFF  }
0x65: {  	_ =	shalt  }

</sc_bundles>
